<compile_context>
chip_gen: v7x
topology: tpu7x:2x2x1
jax: 0.10.2.dev20260603
libtpu: 0.0.44.dev20260713+nightly
codegen_flags: <defaults>
</compile_context>

<pallas_src>
import functools

import jax
import jax.numpy as jnp
from jax.experimental import pallas as pl
from jax.experimental.pallas import tpu as pltpu
from jax.experimental.pallas import tpu_sc as plsc

N = 10000
D = 128
E = 320000

NUM_CORES = 2
NUM_SUBCORES = 16
NUM_TILES = NUM_CORES * NUM_SUBCORES

K = 128
NB = 2
IDX_HALVES = 2
EPAD = ((E + NUM_TILES * K * NB - 1) // (NUM_TILES * K * NB)) * (NUM_TILES * K * NB)
CHUNKS = EPAD // K
CHUNKS_PER_CORE = CHUNKS // NUM_CORES
CHUNKS_PER_TILE = CHUNKS_PER_CORE // NUM_SUBCORES

CPT0 = 80
CPT1 = 2 * CHUNKS_PER_TILE - CPT0
CPT_MAX = max(CPT0, CPT1)

NPAD = 10240
ROWS_PER_TILE = NPAD // NUM_SUBCORES
DUMP = N

BLK = 512
GRID = NPAD // BLK

@functools.cache
def _mesh():
    return plsc.VectorSubcoreMesh(
        core_axis_name="c", subcore_axis_name="s",
        num_cores=NUM_CORES, num_subcores=NUM_SUBCORES,
    )



@jax.jit
def _sc_deg(dst2d, zdeg, ones16):
    @functools.partial(
        pl.kernel,
        out_type=jax.ShapeDtypeStruct((NUM_CORES * NPAD, D), jnp.float32),
        mesh=_mesh(),
        scratch_types=[
            pltpu.VMEM_SHARED((NPAD, D), jnp.float32),
            pltpu.VMEM((K, D), jnp.float32),
            pltpu.VMEM((CHUNKS_PER_TILE, K), jnp.int32),
            pltpu.SemaphoreType.DMA,
        ],
    )
    def body(dst_hbm, zdeg_hbm, ones_hbm, out_hbm, shared, ones_v, dst_all, sem):
        c = jax.lax.axis_index("c")
        s = jax.lax.axis_index("s")
        row0 = s * ROWS_PER_TILE
        base = c * CHUNKS_PER_CORE + s * CHUNKS_PER_TILE
        pltpu.sync_copy(ones_hbm, ones_v)
        pltpu.sync_copy(dst_hbm.at[pl.ds(base, CHUNKS_PER_TILE)], dst_all)
        pltpu.sync_copy(zdeg_hbm.at[pl.ds(row0, ROWS_PER_TILE)],
                        shared.at[pl.ds(row0, ROWS_PER_TILE)])
        plsc.subcore_barrier()

        @pl.loop(0, CHUNKS_PER_TILE)
        def _(i):
            pltpu.async_copy(ones_v, shared.at[dst_all.at[i]], sem, add=True)

        @pl.loop(0, CHUNKS_PER_TILE)
        def _(i):
            pltpu.make_async_copy(ones_v, shared.at[dst_all.at[0]], sem).wait()

        plsc.subcore_barrier()
        pltpu.sync_copy(shared.at[pl.ds(row0, ROWS_PER_TILE)],
                        out_hbm.at[pl.ds(c * NPAD + row0, ROWS_PER_TILE)])

    return body(dst2d, zdeg, ones16)


@jax.jit
def _sc_edges(g, src2d, dst2d, zrows):
    @functools.partial(
        pl.kernel,
        out_type=jax.ShapeDtypeStruct((NUM_CORES * NPAD, D), jnp.float32),
        mesh=_mesh(),
        scratch_types=[
            pltpu.VMEM_SHARED((NPAD, D), jnp.float32),
            pltpu.VMEM((K,), jnp.int32),
            pltpu.VMEM((K,), jnp.int32),
            pltpu.VMEM((K, D), jnp.float32),
            pltpu.SemaphoreType.DMA,
        ],
    )
    def body(g_hbm, src_hbm, dst_hbm, z_hbm, out_hbm,
             shared, src_v, dst_v, rows_v, sem):
        c = jax.lax.axis_index("c")
        s = jax.lax.axis_index("s")
        row0 = s * ROWS_PER_TILE
        pltpu.sync_copy(z_hbm.at[pl.ds(row0, ROWS_PER_TILE)],
                        shared.at[pl.ds(row0, ROWS_PER_TILE)])
        plsc.subcore_barrier()
        base = c * CHUNKS_PER_CORE + s * CHUNKS_PER_TILE

        @pl.loop(0, CHUNKS_PER_TILE)
        def _(i):
            pltpu.sync_copy(src_hbm.at[base + i], src_v)
            pltpu.sync_copy(dst_hbm.at[base + i], dst_v)
            pltpu.async_copy(g_hbm.at[src_v], rows_v, sem).wait()
            pltpu.sync_copy(rows_v, shared.at[dst_v], add=True)

        plsc.subcore_barrier()
        pltpu.sync_copy(shared.at[pl.ds(row0, ROWS_PER_TILE)],
                        out_hbm.at[pl.ds(c * NPAD + row0, ROWS_PER_TILE)])

    return body(g, src2d, dst2d, zrows)



def _dinv_from_deg(deg_ref):
    deg = deg_ref[0, :, 0:1] + deg_ref[1, :, 0:1] + 1.0
    return jax.lax.rsqrt(deg)


def _tc_a_body(x_ref, w_ref, deg_ref, g_ref):
    dinv = _dinv_from_deg(deg_ref)
    h = jnp.dot(x_ref[...], w_ref[...], preferred_element_type=jnp.float32)
    g_ref[...] = h * dinv


def _tc_b_body(a_ref, g1_ref, deg_ref, b_ref, w_ref, xem_ref, g2_ref):
    dinv = _dinv_from_deg(deg_ref)
    ssum = a_ref[0] + a_ref[1] + g1_ref[...]
    xem = ssum * dinv + b_ref[...]
    xem_ref[...] = xem
    h = jnp.maximum(xem, 0.0)
    g2 = jnp.dot(h, w_ref[...], preferred_element_type=jnp.float32) * dinv
    rows = pl.program_id(0) * BLK + jax.lax.broadcasted_iota(
        jnp.int32, (BLK, 1), 0)
    g2_ref[...] = jnp.where(rows < N, g2, 0.0)


def _tc_c_body(a_ref, g2_ref, deg_ref, b_ref, out_ref):
    dinv = _dinv_from_deg(deg_ref)
    ssum = a_ref[0] + a_ref[1] + g2_ref[...]
    out_ref[...] = jnp.maximum(ssum * dinv + b_ref[...], 0.0)


_spec_rows = pl.BlockSpec((BLK, D), lambda i: (i, 0))
_spec_acc = pl.BlockSpec((2, BLK, D), lambda i: (0, i, 0))
_spec_deg = pl.BlockSpec((2, BLK, D), lambda i: (0, i, 0))
_spec_w = pl.BlockSpec((D, D), lambda i: (0, 0))
_spec_b = pl.BlockSpec((1, D), lambda i: (0, 0))


@jax.jit
def _tc_a(xpad, W1, deg3):
    return pl.pallas_call(
        _tc_a_body,
        grid=(GRID,),
        in_specs=[_spec_rows, _spec_w, _spec_deg],
        out_specs=_spec_rows,
        out_shape=jax.ShapeDtypeStruct((NPAD, D), jnp.float32),
    )(xpad, W1, deg3)


@jax.jit
def _tc_b(acc3, g1, deg3, b1, W2):
    return pl.pallas_call(
        _tc_b_body,
        grid=(GRID,),
        in_specs=[_spec_acc, _spec_rows, _spec_deg, _spec_b, _spec_w],
        out_specs=[_spec_rows, _spec_rows],
        out_shape=[jax.ShapeDtypeStruct((NPAD, D), jnp.float32),
                   jax.ShapeDtypeStruct((NPAD, D), jnp.float32)],
    )(acc3, g1, deg3, b1, W2)


@jax.jit
def _tc_c(acc3, g2, deg3, b2):
    return pl.pallas_call(
        _tc_c_body,
        grid=(GRID,),
        in_specs=[_spec_acc, _spec_rows, _spec_deg, _spec_b],
        out_specs=_spec_rows,
        out_shape=jax.ShapeDtypeStruct((NPAD, D), jnp.float32),
    )(acc3, g2, deg3, b2)



def kernel(x, edge_index, W1, b1, W2, b2):
    src = edge_index[0]
    dst = edge_index[1]
    padi = DUMP + (jnp.arange(EPAD - E, dtype=jnp.int32) % (NPAD - N))
    src2d = jnp.concatenate([src, padi]).reshape(CHUNKS, K)
    dst2d = jnp.concatenate([dst, padi]).reshape(CHUNKS, K)

    xpad = jnp.zeros((NPAD, D), jnp.float32).at[:N].set(x)
    zrows = jnp.zeros((NPAD, D), jnp.float32)
    onesr = jnp.ones((K, D), jnp.float32)

    deg3 = _sc_deg(dst2d, zrows, onesr).reshape(NUM_CORES, NPAD, D)
    g1 = _tc_a(xpad, W1, deg3)
    acc1 = _sc_edges(g1, src2d, dst2d, zrows).reshape(NUM_CORES, NPAD, D)
    xem, g2 = _tc_b(acc1, g1, deg3, b1.reshape(1, D), W2)
    acc2 = _sc_edges(g2, src2d, dst2d, zrows).reshape(NUM_CORES, NPAD, D)
    out = _tc_c(acc2, g2, deg3, b2.reshape(1, D))
    return out[:N], xem[:N]

# --- scband reference (transcript-rebuilt; emitter-appended) ---
"""Pipeline reference for scband-gcnmodel-42571715838385 (READ-ONLY COPY).

The authoritative reference and input builder live on the scoring server;
editing this copy changes nothing except your own understanding.
"""

import jax, jax.numpy as jnp
import numpy as np

N = 10000
E = 320000
D = 128


def setup_inputs(seed: int = 0) -> dict:
    key = jax.random.key(seed)
    k1, k2, k3, k4 = jax.random.split(key, 4)
    x = jax.random.normal(k1, (N, D), dtype=jnp.float32)
    edge_index = jax.random.randint(k2, (2, E), 0, N, dtype=jnp.int32)
    scale = 1.0 / np.sqrt(D)
    W1 = jax.random.normal(k3, (D, D), dtype=jnp.float32) * scale
    b1 = jnp.zeros((D,), dtype=jnp.float32)
    W2 = jax.random.normal(k4, (D, D), dtype=jnp.float32) * scale
    b2 = jnp.zeros((D,), dtype=jnp.float32)
    return {"x": x, "edge_index": edge_index, "W1": W1, "b1": b1, "W2": W2, "b2": b2}


def gcn_conv(x, edge_index, W, b):
    # PyG-style GCNConv: add self-loops, symmetric normalization, scatter-add aggregate
    n = x.shape[0]
    src = edge_index[0]
    dst = edge_index[1]
    loop = jnp.arange(n, dtype=src.dtype)
    src = jnp.concatenate([src, loop])
    dst = jnp.concatenate([dst, loop])
    h = x @ W
    ones = jnp.ones(src.shape[0], dtype=h.dtype)
    deg = jnp.zeros((n,), dtype=h.dtype).at[dst].add(ones)
    dinv = jnp.where(deg > 0, jax.lax.rsqrt(jnp.maximum(deg, 1e-12)), 0.0)
    norm = dinv[src] * dinv[dst]
    msg = h[src] * norm[:, None]
    out = jnp.zeros_like(h).at[dst].add(msg)
    return out + b


def reference(x, edge_index, W1, b1, W2, b2):
    h1 = gcn_conv(x, edge_index, W1, b1)
    x_em = h1
    h = jax.nn.relu(h1)
    out = gcn_conv(h, edge_index, W2, b2)
    out = jax.nn.relu(out)
    return (out, x_em)

if __name__ == "__main__":
    import jax
    _d = setup_inputs()
    print(jax.jit(kernel)(*tuple(_d.values())))

</pallas_src>

<mosaic_0001>
#map = affine_map<(d0, d1) -> (0, 0)>
module attributes {stable_mosaic.version = 14 : i64} {
  func.func @body(%arg0: i32, %arg1: i32, %arg2: memref<2560x128xi32, #tpu.memory_space<hbm>>, %arg3: memref<10240x128xf32, #tpu.memory_space<hbm>>, %arg4: memref<128x128xf32, #tpu.memory_space<hbm>>, %arg5: memref<20480x128xf32, #tpu.memory_space<hbm>>, %arg6: memref<10240x128xf32, #tpu.memory_space<vmem_shared>>, %arg7: memref<128x128xf32, #tpu.memory_space<vmem>>, %arg8: memref<80x128xi32, #tpu.memory_space<vmem>>, %arg9: memref<!tpu.dma_semaphore, #tpu.memory_space<semaphore_mem>>) attributes {dimension_semantics = [#tpu.dimension_semantics<core_parallel>, #tpu.dimension_semantics<subcore_parallel>], iteration_bounds = array<i64: 2, 16>, scalar_prefetch = 0 : i64, scratch_operands = 4 : i64, tpu.core_type = #tpu.core_type<sc_vector_subcore>, window_params = [{transform_indices = #map}, {transform_indices = #map}, {transform_indices = #map}, {transform_indices = #map}]} {
    %mul3A = arith.constant 640 : i32
    %mul3A_0 = arith.muli %arg1, %mul3A : i32
    %mul3A_1 = arith.constant 1280 : i32
    %mul3A_2 = arith.muli %arg0, %mul3A_1 : i32
    %mul3A_3 = arith.constant 80 : i32
    %mul3A_4 = arith.muli %arg1, %mul3A_3 : i32
    %add3A = arith.addi %mul3A_2, %mul3A_4 : i32
    "tpu.region"() ({
      %run_scoped3A = tpu.sem_alloc : memref<!tpu.dma_semaphore, #tpu.memory_space<semaphore_mem>>
      tpu.enqueue_dma source(%arg4 : memref<128x128xf32, #tpu.memory_space<hbm>>) target(%arg7 : memref<128x128xf32, #tpu.memory_space<vmem>>) target_semaphore(%run_scoped3A : memref<!tpu.dma_semaphore, #tpu.memory_space<semaphore_mem>>)
      tpu.wait_dma2 semaphore(%run_scoped3A : memref<!tpu.dma_semaphore, #tpu.memory_space<semaphore_mem>>) src(%arg4 : memref<128x128xf32, #tpu.memory_space<hbm>>) dst(%arg7 : memref<128x128xf32, #tpu.memory_space<vmem>>)
      tpu.yield
    }) : () -> ()
    "tpu.region"() ({
      %run_scoped3A = tpu.sem_alloc : memref<!tpu.dma_semaphore, #tpu.memory_space<semaphore_mem>>
      %dma_start3A = arith.constant 0 : i32
      %dma_start3A_18 = tpu.memref_slice %arg2[%add3A, %dma_start3A] : memref<2560x128xi32, #tpu.memory_space<hbm>> -> memref<80x128xi32, #tpu.memory_space<hbm>>
      %dma_start3A_19 = arith.constant 0 : i32
      %dma_start3A_20 = tpu.memref_slice %arg2[%add3A, %dma_start3A_19] : memref<2560x128xi32, #tpu.memory_space<hbm>> -> memref<80x128xi32, #tpu.memory_space<hbm>>
      tpu.enqueue_dma source(%dma_start3A_20 : memref<80x128xi32, #tpu.memory_space<hbm>>) target(%arg8 : memref<80x128xi32, #tpu.memory_space<vmem>>) target_semaphore(%run_scoped3A : memref<!tpu.dma_semaphore, #tpu.memory_space<semaphore_mem>>)
      %dma_wait3A = arith.constant 0 : i32
      %dma_wait3A_21 = tpu.memref_slice %arg2[%add3A, %dma_wait3A] : memref<2560x128xi32, #tpu.memory_space<hbm>> -> memref<80x128xi32, #tpu.memory_space<hbm>>
      %dma_wait3A_22 = arith.constant 0 : i32
      %dma_wait3A_23 = tpu.memref_slice %arg2[%add3A, %dma_wait3A_22] : memref<2560x128xi32, #tpu.memory_space<hbm>> -> memref<80x128xi32, #tpu.memory_space<hbm>>
      tpu.wait_dma2 semaphore(%run_scoped3A : memref<!tpu.dma_semaphore, #tpu.memory_space<semaphore_mem>>) src(%dma_wait3A_23 : memref<80x128xi32, #tpu.memory_space<hbm>>) dst(%arg8 : memref<80x128xi32, #tpu.memory_space<vmem>>)
      tpu.yield
    }) : () -> ()
    "tpu.region"() ({
      %run_scoped3A = tpu.sem_alloc : memref<!tpu.dma_semaphore, #tpu.memory_space<semaphore_mem>>
      %dma_start3A = arith.constant 0 : i32
      %dma_start3A_18 = tpu.memref_slice %arg6[%mul3A_0, %dma_start3A] : memref<10240x128xf32, #tpu.memory_space<vmem_shared>> -> memref<640x128xf32, #tpu.memory_space<vmem_shared>>
      %dma_start3A_19 = arith.constant 0 : i32
      %dma_start3A_20 = tpu.memref_slice %arg3[%mul3A_0, %dma_start3A_19] : memref<10240x128xf32, #tpu.memory_space<hbm>> -> memref<640x128xf32, #tpu.memory_space<hbm>>
      tpu.enqueue_dma source(%dma_start3A_20 : memref<640x128xf32, #tpu.memory_space<hbm>>) target(%dma_start3A_18 : memref<640x128xf32, #tpu.memory_space<vmem_shared>>) target_semaphore(%run_scoped3A : memref<!tpu.dma_semaphore, #tpu.memory_space<semaphore_mem>>)
      %dma_wait3A = arith.constant 0 : i32
      %dma_wait3A_21 = tpu.memref_slice %arg6[%mul3A_0, %dma_wait3A] : memref<10240x128xf32, #tpu.memory_space<vmem_shared>> -> memref<640x128xf32, #tpu.memory_space<vmem_shared>>
      %dma_wait3A_22 = arith.constant 0 : i32
      %dma_wait3A_23 = tpu.memref_slice %arg3[%mul3A_0, %dma_wait3A_22] : memref<10240x128xf32, #tpu.memory_space<hbm>> -> memref<640x128xf32, #tpu.memory_space<hbm>>
      tpu.wait_dma2 semaphore(%run_scoped3A : memref<!tpu.dma_semaphore, #tpu.memory_space<semaphore_mem>>) src(%dma_wait3A_23 : memref<640x128xf32, #tpu.memory_space<hbm>>) dst(%dma_wait3A_21 : memref<640x128xf32, #tpu.memory_space<vmem_shared>>)
      tpu.yield
    }) : () -> ()
    %barrier3A = arith.constant 0 : index
    tpu.barrier barrier_id(%barrier3A)
    %scan3A = arith.constant 0 : i32
    %scan3A_5 = arith.constant 80 : i32
    %scan3A_6 = arith.addi %scan3A, %scan3A_5 : i32
    %scan3A_7 = arith.constant 1 : i32
    scf.for %scan3A_18 = %scan3A to %scan3A_6 step %scan3A_7  : i32 {
      %mul3A_19 = arith.constant 1 : i32
      %mul3A_20 = arith.muli %scan3A_18, %mul3A_19 : i32
      %add3A_21 = arith.constant 0 : i32
      %add3A_22 = arith.addi %add3A_21, %mul3A_20 : i32
      %dma_start3A = arith.constant 0 : i32
      %dma_start3A_23 = tpu.memref_slice %arg8[%add3A_22, %dma_start3A] : memref<80x128xi32, #tpu.memory_space<vmem>> -> memref<1x128xi32, #tpu.memory_space<vmem>>
      %dma_start3A_24 = tpu.memref_squeeze %dma_start3A_23 : memref<1x128xi32, #tpu.memory_space<vmem>> -> memref<128xi32, #tpu.memory_space<vmem>>
      %dma_start3A_25 = arith.constant 0 : i32
      %dma_start3A_26 = arith.constant 0 : i32
      %dma_start3A_27 = tpu.memref_slice %arg6[%dma_start3A_25, %dma_start3A_26] : memref<10240x128xf32, #tpu.memory_space<vmem_shared>> -> memref<10240x128xf32, #tpu.memory_space<vmem_shared>>
      tpu.enqueue_indirect_dma source(%arg7 : memref<128x128xf32, #tpu.memory_space<vmem>>) target(%dma_start3A_27 : memref<10240x128xf32, #tpu.memory_space<vmem_shared>>) offsets(%dma_start3A_24 : memref<128xi32, #tpu.memory_space<vmem>>) semaphore(%arg9 : memref<!tpu.dma_semaphore, #tpu.memory_space<semaphore_mem>>) {add = true}
    }
    %scan3A_8 = arith.constant 80 : i32
    %scan3A_9 = arith.constant 0 : i32
    %scan3A_10 = arith.constant 80 : i32
    %scan3A_11 = arith.addi %scan3A_9, %scan3A_10 : i32
    %scan3A_12 = arith.constant 1 : i32
    scf.for %scan3A_18 = %scan3A_9 to %scan3A_11 step %scan3A_12  : i32 {
      %mul3A_19 = arith.constant 1 : i32
      %mul3A_20 = arith.muli %scan3A_18, %mul3A_19 : i32
      %add3A_21 = arith.constant 0 : i32
      %add3A_22 = arith.addi %add3A_21, %mul3A_20 : i32
      %dma_wait3A = arith.constant 0 : i32
      %dma_wait3A_23 = arith.constant 0 : i32
      %dma_wait3A_24 = tpu.memref_slice %arg8[%dma_wait3A, %dma_wait3A_23] : memref<80x128xi32, #tpu.memory_space<vmem>> -> memref<1x128xi32, #tpu.memory_space<vmem>>
      %dma_wait3A_25 = tpu.memref_squeeze %dma_wait3A_24 : memref<1x128xi32, #tpu.memory_space<vmem>> -> memref<128xi32, #tpu.memory_space<vmem>>
      %dma_wait3A_26 = arith.constant 0 : i32
      %dma_wait3A_27 = arith.constant 0 : i32
      %dma_wait3A_28 = tpu.memref_slice %arg6[%dma_wait3A_26, %dma_wait3A_27] : memref<10240x128xf32, #tpu.memory_space<vmem_shared>> -> memref<10240x128xf32, #tpu.memory_space<vmem_shared>>
      tpu.wait_indirect_dma semaphore(%arg9 : memref<!tpu.dma_semaphore, #tpu.memory_space<semaphore_mem>>) src(%arg7 : memref<128x128xf32, #tpu.memory_space<vmem>>) dst(%dma_wait3A_28 : memref<10240x128xf32, #tpu.memory_space<vmem_shared>>)
    }
    %scan3A_13 = arith.constant 80 : i32
    %barrier3A_14 = arith.constant 0 : index
    tpu.barrier barrier_id(%barrier3A_14)
    %mul3A_15 = arith.constant 10240 : i32
    %mul3A_16 = arith.muli %arg0, %mul3A_15 : i32
    %add3A_17 = arith.addi %mul3A_16, %mul3A_0 : i32
    "tpu.region"() ({
      %run_scoped3A = tpu.sem_alloc : memref<!tpu.dma_semaphore, #tpu.memory_space<semaphore_mem>>
      %dma_start3A = arith.constant 0 : i32
      %dma_start3A_18 = tpu.memref_slice %arg5[%add3A_17, %dma_start3A] : memref<20480x128xf32, #tpu.memory_space<hbm>> -> memref<640x128xf32, #tpu.memory_space<hbm>>
      %dma_start3A_19 = arith.constant 0 : i32
      %dma_start3A_20 = tpu.memref_slice %arg6[%mul3A_0, %dma_start3A_19] : memref<10240x128xf32, #tpu.memory_space<vmem_shared>> -> memref<640x128xf32, #tpu.memory_space<vmem_shared>>
      tpu.enqueue_dma source(%dma_start3A_20 : memref<640x128xf32, #tpu.memory_space<vmem_shared>>) target(%dma_start3A_18 : memref<640x128xf32, #tpu.memory_space<hbm>>) target_semaphore(%run_scoped3A : memref<!tpu.dma_semaphore, #tpu.memory_space<semaphore_mem>>)
      %dma_wait3A = arith.constant 0 : i32
      %dma_wait3A_21 = tpu.memref_slice %arg5[%add3A_17, %dma_wait3A] : memref<20480x128xf32, #tpu.memory_space<hbm>> -> memref<640x128xf32, #tpu.memory_space<hbm>>
      %dma_wait3A_22 = arith.constant 0 : i32
      %dma_wait3A_23 = tpu.memref_slice %arg6[%mul3A_0, %dma_wait3A_22] : memref<10240x128xf32, #tpu.memory_space<vmem_shared>> -> memref<640x128xf32, #tpu.memory_space<vmem_shared>>
      tpu.wait_dma2 semaphore(%run_scoped3A : memref<!tpu.dma_semaphore, #tpu.memory_space<semaphore_mem>>) src(%dma_wait3A_23 : memref<640x128xf32, #tpu.memory_space<vmem_shared>>) dst(%dma_wait3A_21 : memref<640x128xf32, #tpu.memory_space<hbm>>)
      tpu.yield
    }) : () -> ()
    return
  }
}

</mosaic_0001>

<sc_bundles>
// kernel: _sc_deg.3.cloned.1.call-start
scs
__scs_entry_jumppad:
0x0: {  	(pc) =	sbr.rel $0x88, $3  }
0x1: {  	(tag) =	ssettag $0x0;
	lr =	simm.s32 $0x1  }
0x2: {  	[smem:$0x3F9E] =	sst lr;
	_ =	strace $0xD0000000  }
0x3: {  	_ = 	snop  }
0x4: {  	_ = 	snop  }
0x5: {  	_ = 	snop  }
0x6: {  	_ = 	snop  }
0x7: {  	_ = 	snop  }
__scs_overlays_trampoline_lowered:
0x8: {  	[smem:$0x3FAD] =	sst s0  }
0x9: {  	[smem:$0x3FAE] =	sst s1  }
0xa: {  	[smem:$0x3FAF] =	sst s2  }
0xb: {  	[smem:$0x3FB0] =	sst s3  }
0xc: {  	[smem:$0x3FB1] =	sst s4  }
0xd: {  	[smem:$0x3FB2] =	sst s5  }
0xe: {  	[smem:$0x3FB3] =	sst s6  }
0xf: {  	[smem:$0x3FB4] =	sst s7  }
0x10: {  	[smem:$0x3FB5] =	sst s8  }
0x11: {  	[smem:$0x3FB6] =	sst s9;
	s0 =	simm.s32 @!p0 $0x0  }
0x12: {  	s1 =	sld [smem:$0x3F9C];
	s0 =	simm.s32 @p0 $0x1  }
0x13: {  	[smem:$0x3FB7] =	sst s0;
	s0 =	simm.s32 @!p1 $0x0  }
0x14: {  	s2 =	sld [smem:$0x3F9B];
	s0 =	simm.s32 @p1 $0x1  }
0x15: {  	[smem:$0x3FB8] =	sst s0;
	s0 =	simm.s32 @!p2 $0x0  }
0x16: {  	s3 =	sld [smem:$0x3FDB];
	s0 =	simm.s32 @p2 $0x1  }
0x17: {  	s4 =	simm.s32 $0x1BF5;
	[smem:$0x3FBA] =	sst s0  }
0x18: {  	s0 =	sld [smem:$0x3F9D];
	_ =	swait.ge [sflag:s4], $0x0  }
0x19: {  	s7 =	sld [smem:$0x3F9E]  }
0x1a: {  	s8 =	sadd.s32 $0xFFFFE003, lr  }
0x1b: {  	s9 =	sadd.s32 $0xFFFFFEF7, lr;
	s5 =	simm.s32 $0xFFFFFFFF;
	p2 =	slt.u32 s8, $0xFFFFF086  }
0x1c: {  	p1 =	slt.u32 s9, $0xF7A;
	s5 =	simm.s32 @!p2 $0x0  }
0x1d: {  	s5 =	simm.s32 @p1 $0x1;
	p0 =	seq.s32 s7, s2  }
0x1e: {  	s7 =	smul.u32 @!p0 $0xF7A, s2;
	p2 =	seq.s32 @!p0 s5, $0x0  }
0x1f: {  	s9 =	smul.u32 $0xF7A, s1;
	s8 =	simm.s32 @!p0 $0x1BF5;
	p2 =	por !p2, p0  }
0x20: {  	[sflag:s8] =	ssyncset.s32 @!p0 $0xFFFFF086;
	s6 =	sadd.s32 @!p0 s3, s7;
	s7 =	simm.s32 @!p0 $0x108  }
0x21: {  	s3 =	sadd.s32 s3, s9;
	s6 =	sadd.s32 @!p0 $0x88, s6;
	s7 =	simm.s32 @p2 $0x1082  }
0x22: {  	[simem:s7], [sflag:s8] =	dma.local @!p0 [hbm:s6], $0xF7A  }
0x23: {  	s9 =	sor.u32 $0xD0000000, s2;
	s6 =	simm.s32 $0x108;
	_ =	swait.ge @!p0 [sflag:s8], $0x0  }
0x24: {  	s3 =	sadd.s32 $0x88, s3;
	s6 =	simm.s32 @!p1 $0x1082;
	[sflag:s4] =	ssyncset.s32 $0xFFFFF086  }
0x25: {  	[simem:s6], [sflag:s4] =	dma.local [hbm:s3], $0xF7A  }
0x26: {  	[smem:$0x3F9E] =	sst s1;
	(tag) =	ssettag s2;
	_ =	strace s9  }
0x27: {  	s1 =	sld [smem:$0x3FAE]  }
0x28: {  	s2 =	sld [smem:$0x3FAF]  }
0x29: {  	s4 =	sld [smem:$0x3FB1]  }
0x2a: {  	p0 =	seq.s32 s5, $0x0;
	s5 =	sld [smem:$0x3FB2]  }
0x2b: {  	s6 =	sld [smem:$0x3FB3]  }
0x2c: {  	s7 =	sld [smem:$0x3FB4]  }
0x2d: {  	s3 =	simm.s32 $0x108;
	s8 =	sld [smem:$0x3FB5]  }
0x2e: {  	s3 =	simm.s32 @!p0 $0x1082;
	s9 =	sld [smem:$0x3FB6]  }
0x2f: {  	lr =	sadd.s32 s0, s3;
	s0 =	sld [smem:$0x3FAD]  }
0x30: {  	s3 =	sld [smem:$0x3FB0]  }
0x31: {  	[smem:$0x3FB9] =	sst s10  }
0x32: {  	s10 =	sld [smem:$0x3FB7];
	_ =	sdelay $0x3  }
0x33: {  	p0 =	seq.s32 s10, $0x1;
	s10 =	sld [smem:$0x3FB9];
	_ =	sdelay $0x3  }
0x34: {  	[smem:$0x3FB9] =	sst s10  }
0x35: {  	s10 =	sld [smem:$0x3FB8];
	_ =	sdelay $0x3  }
0x36: {  	p1 =	seq.s32 s10, $0x1;
	s10 =	sld [smem:$0x3FB9];
	_ =	sdelay $0x3  }
0x37: {  	[smem:$0x3FB9] =	sst s10  }
0x38: {  	s10 =	sld [smem:$0x3FBA]  }
0x39: {  	_ = 	snop;
	(pc) =	sbr.ind lr, $3  }
0x3a: {  	_ = 	snop  }
0x3b: {  	_ = 	snop  }
0x3c: {  	p2 =	seq.s32 s10, $0x1;
	s10 =	sld [smem:$0x3FB9]  }
0x3d: {  	_ =	shalt  }
0x3e: {  	_ =	shalt  }
0x3f: {  	_ =	shalt  }
0x40: {  	_ =	shalt  }
0x41: {  	_ =	shalt  }
0x42: {  	_ =	shalt  }
0x43: {  	_ =	shalt  }
0x44: {  	_ =	shalt  }
0x45: {  	_ =	shalt  }
0x46: {  	_ =	shalt  }
0x47: {  	_ =	shalt  }
0x48: {  	_ =	shalt  }
0x49: {  	_ =	shalt  }
0x4a: {  	_ =	shalt  }
0x4b: {  	_ =	shalt  }
0x4c: {  	_ =	shalt  }
0x4d: {  	_ =	shalt  }
0x4e: {  	_ =	shalt  }
0x4f: {  	_ =	shalt  }
0x50: {  	_ =	shalt  }
0x51: {  	_ =	shalt  }
0x52: {  	_ =	shalt  }
0x53: {  	_ =	shalt  }
0x54: {  	_ =	shalt  }
0x55: {  	_ =	shalt  }
0x56: {  	_ =	shalt  }
0x57: {  	_ =	shalt  }
0x58: {  	_ =	shalt  }
0x59: {  	_ =	shalt  }
0x5a: {  	_ =	shalt  }
0x5b: {  	_ =	shalt  }
0x5c: {  	_ =	shalt  }
0x5d: {  	_ =	shalt  }
0x5e: {  	_ =	shalt  }
0x5f: {  	_ =	shalt  }
0x60: {  	_ =	shalt  }
0x61: {  	_ =	shalt  }
0x62: {  	_ =	shalt  }
0x63: {  	_ =	shalt  }
0x64: {  	_ =	shalt  }
0x65: {  	_ =	shalt  }
0x66: {  	_ =	shalt  }
0x67: {  	_ =	shalt  }
0x68: {  	_ =	shalt  }
0x69: {  	_ =	shalt  }
0x6a: {  	_ =	shalt  }
0x6b: {  	_ =	shalt  }
0x6c: {  	_ =	shalt  }
0x6d: {  	_ =	shalt  }
0x6e: {  	_ =	shalt  }
0x6f: {  	_ =	shalt  }
0x70: {  	_ =	shalt  }
0x71: {  	_ =	shalt  }
0x72: {  	_ =	shalt  }
0x73: {  	_ =	shalt  }
0x74: {  	_ =	shalt  }
0x75: {  	_ =	shalt  }
0x76: {  	_ =	shalt  }
0x77: {  	_ =	shalt  }
0x78: {  	_ =	shalt  }
0x79: {  	_ =	shalt  }
0x7a: {  	_ =	shalt  }
0x7b: {  	_ =	shalt  }
0x7c: {  	_ =	shalt  }
0x7d: {  	_ =	shalt  }
0x7e: {  	_ =	shalt  }
0x7f: {  	_ =	shalt  }
0x80: {  	_ =	shalt  }
0x81: {  	_ =	shalt  }
0x82: {  	_ =	shalt  }
0x83: {  	_ =	shalt  }
0x84: {  	_ =	shalt  }
0x85: {  	_ =	shalt  }
0x86: {  	_ =	shalt  }
0x87: {  	_ =	shalt  }
.Lfunc_end0:
.L_simem_size_0:
called_computation_lowered:
.L_overlay_start_0:
0x88: {  	s2 =	sld [smem:$0x3FD9]  }
0x89: {  	s3 =	sld [smem:$0x3FFE];
	_ =	sdelay $0x1  }
0x8a: {  	s1 =	srdreg.scid  }
0x8b: {  	s0 =	sand.u32 $0x1, s1  }
0x8c: {  	s18 =	sshll.u32 s0, $0xA;
	s2 =	sadd.s32 s3, s2  }
0x8d: {  	s2 =	sadd.s32 s2, s18  }
0x8e: {  	[smem:$0x3FC5] =	sst s2  }
0x8f: {  	_ = 	snop  }
0x90: {  	s2 =	sld [smem:$0x3FC9]  }
0x91: {  	s19 =	sld [smem:$0x3FC8]  }
0x92: {  	s4 =	sld [smem:$0x3FC7]  }
0x93: {  	s5 =	sld [smem:$0x3FD0];
	(tm) =	ssettm $0x1  }
0x94: {  	s6 =	sld [smem:$0x3FFB];
	_ =	sdelay $0x3  }
0x95: {  	_ =	strace s6  }
0x96: {  	s6 =	sld [smem:$0x3FFC];
	_ =	sdelay $0x3  }
0x97: {  	_ =	strace s6  }
0x98: {  	s6 =	sld [smem:$0x3FFD];
	_ =	sdelay $0x3  }
0x99: {  	_ =	strace s6  }
0x9a: {  	_ =	strace $0x8FFFFFFF  }
0x9b: {  	s20 =	sld [smem:$0x3FDB];
	_ =	sdelay $0x1  }
0x9c: {  	s7 =	simm.s32 $_scs_section_size  }
0x9d: {  	s8 =	simm.s32 $_size__tile_overlayer_lowered;
	s9 =	simm.s32 $_tile_overlayer_lowered  }
0x9e: {  	s23 =	simm.s32 $0x1BFF;
	s22 =	sshll.u32 s9, $0x1;
	s6 =	sadd.s32 s7, s20  }
0x9f: {  	s10 =	simm.s32 $0x0;
	s21 =	sshll.u32 s8, $0x1;
	s8 =	sadd.s32 s22, s6  }
0xa0: {  	[timem:s10], [sflag:s23] =	dma.local [hbm:s8], s21  }
0xa1: {  	_ =	swait.ge [sflag:s23], s21  }
0xa2: {  	s7 =	ssub.s32 $0x0, s21;
	[sflag:s23] =	ssyncset.done $0x0  }
0xa3: {  	[sflag:s23] =	ssyncadd.s32 s7;
	_ =	sdelay $0x1  }
0xa4: {  	s24 =	simm.s32 $0x1B8B  }
0xa5: {  	_ =	swait.ge [sflag:s24], $0x1  }
0xa6: {  	[sflag:s24] =	ssyncset.done $0x0  }
0xa7: {  	s25 =	simm.s32 $0x1B8E;
	[sflag:s24] =	ssyncadd.s32 $0xFFFFFFFF  }
0xa8: {  	s26 =	simm.s32 $execute0_lowered;
	[smem:$0x3FD2] =	sst s25  }
0xa9: {  	s7 =	sshll.u32 s26, $0x1;
	_ =	strace $0x80000046;
	[dreg:$0x1] =	wrdreg $0xFFFFFFFF  }
0xaa: {  	s28 =	simm.s32 $_size_execute0_lowered;
	s6 =	sadd.s32 s6, s7;
	[dreg:$0x0] =	wrdreg $0x0  }
0xab: {  	s7 =	sshll.u32 s28, $0x1;
	[dreg:$0x2] =	wrdreg s6  }
0xac: {  	[dreg:$0x3] =	wrdreg s7  }
0xad: {  	[dreg:$0x4] =	wrdreg $0xC0  }
0xae: {  	_ =	task [dreg:s10], $0x5FFFF  }
0xaf: {  	[dreg:$0x1] =	wrdreg $0xFFFFFFFF  }
0xb0: {  	[dreg:$0x0] =	wrdreg $0x60  }
0xb1: {  	[dreg:$0x2] =	wrdreg s2  }
0xb2: {  	[dreg:$0x3] =	wrdreg s19  }
0xb3: {  	[dreg:$0x4] =	wrdreg s4  }
0xb4: {  	[dreg:$0x5] =	wrdreg s5  }
0xb5: {  	[dreg:$0x6] =	wrdreg $0x0  }
0xb6: {  	[dreg:$0x7] =	wrdreg $0x9  }
0xb7: {  	_ =	task.clear_ibuf [dreg:s10], $0x8FFFF;
	_ =	strace $0x90000046  }
0xb8: {  	s29 =	simm.s32 $0x9;
	_ =	strace $0x80000048  }
0xb9: {  	_ =	swait.ge [sflag:s29], $0x1  }
0xba: {  	[sflag:s29] =	ssyncadd.s32 $0xFFFFFFFF  }
0xbb: {  	_ =	strace $0x90000048  }
0xbc: {  	_ =	sfence  }
0xbd: {  	s30 =	sld [smem:$0x0];
	_ =	sdelay $0x2  }
0xbe: {  	s31 =	sshll.u32 s1, $0xD;
	s1 =	sshrl.u32 s1, $0x2  }
0xbf: {  	s3 =	sand.u32 $0x4000, s31;
	s1 =	sadd.s32 s1, s30  }
0xc0: {  	s0 =	sor.u32 s3, s0;
	s1 =	sshll.u32 s1, $0x11  }
0xc1: {  	s0 =	sor.u32 s1, s0  }
0xc2: {  	s0 =	sadd.s32 $0x8F2B, s0  }
0xc3: {  	[sflag:s0] =	ssyncadd.remote.s32 $0x1  }
0xc4: {  	_ =	sfence.sel $0xFFFF  }
0xc5: {  	[dreg:$0x0] =	wrdreg $0xFFFFFFFF;
	(pc) =	sbr.abs _section_cstart, $3  }
0xc6: {  	[dreg:$0x1] =	wrdreg $0xFFFFFFFF  }
0xc7: {  	_ =	task.clear_ibuf [dreg:s10], $0x2FFFF;
	_ =	strace $0x9FFFFFFF  }
0xc8: {  	(tm) =	ssettm $0x7FFFFFFF  }
0xc9: {  	_ =	shalt  }
tec
execute0_lowered:
.L_overlay_start_1:
0x0: {  	(tag) =	ssettag $0x1  }
0x1: {  	s5 =	rddreg [dreg:$0x0]  }
0x2: {  	s6 =	rddreg [dreg:$0x1]  }
0x3: {  	s1 =	rddreg [dreg:$0x2]  }
0x4: {  	s2 =	srdreg.scid;
	s7 =	rddreg [dreg:$0x3]  }
0x5: {  	s0 =	stileid.u32;
	s3 =	rddreg [dreg:$0x4]  }
0x6: {  	s4 =	simm.s32 $0x0;
	s15 =	simm.s32 $0x1;
	s9 =	smul.u32 $0x2800, s0  }
0x7: {  	s8 =	sand.u32 $0x1, s2;
	s2 =	rddreg [dreg:$0x5];
	s11 =	smul.u32 $0x500, s0  }
0x8: {  	s16 =	simm.s32 $0x0;
	[smem:$0x7FF] =	sst s4;
	s13 =	smul.u32 $0x50000, s0  }
0x9: {  	s31 =	sshll.u32 s0, $0x6;
	s10 =	smul.u32 $0x5000, s8;
	s12 =	ssub.s32 $0x2, s8  }
0xa: {  	_ =	strace $0x80000047;
	s8 =	smul.u32 $0x28000, s8;
	s14 =	sshrl.u32 s12, $0x1  }
0xb: {  	s30 =	sshrl.u32 s13, $0x2;
	s6 =	sadd.s32 s6, s9;
	s12 =	ssub.s32 s12, s14  }
0xc: {  	s10 =	sadd.s32 s11, s10;
	s13 =	sadd.s32 s30, s3;
	s8 =	sadd.s32 s9, s8  }
0xd: {  	s9 =	simm.s32 $0x14000;
	s11 =	simm.s32 $0x18000;
	s14 =	simm.s32 $0x80  }
0xe: {  	s5 =	sadd.s32 s5, s10;
	s7 =	sadd.s32 s7, s8;
	s8 =	smax.u32 s12, $0x1  }
0xf: {  	s10 =	simm.s32 $0x2;
	s12 =	sor.u32 $0x1C02, s31;
	s13 =	sshrl.u32 s13, $0x3  }
.LBB2_1:
0x10: {  	[tilespmem:s9], [sflag:$0x2] =	stream.linear.gather [hbm4b:s1+s4], $0x4000, $0x38;
	[tilespmem:$0x1A800] =	vst v63  }
0x11: {  	_ =	swait.ge [sflag:s10], $0x4000  }
0x12: {  	[sflag:s10] =	ssyncset.done $0x0  }
0x13: {  	[sflag:s10] =	ssyncadd.s32 $0xFFFFC000  }
0x14: {  	[tilespmem:s11], [sflag:$0x2] =	stream.linear.gather [hbm4b:s5+s4], $0x2800, $0x38;
	[tilespmem:$0x1A800] =	vst v63  }
0x15: {  	_ =	swait.ge [sflag:s10], $0x2800  }
0x16: {  	[sflag:s10] =	ssyncset.done $0x0  }
0x17: {  	[sflag:s10] =	ssyncadd.s32 $0xFFFFD800  }
0x18: {  	[spmem:s13], [sflag:s12] =	dma.local [hbm:s6], $0x2800  }
0x19: {  	_ =	swait.ge [sflag:s10], $0x2800  }
0x1a: {  	[sflag:s10] =	ssyncset.done $0x0  }
0x1b: {  	[sflag:s10] =	ssyncadd.s32 $0xFFFFD800  }
0x1c: {  	s17 =	simm.s32 $0x0;
	[bflag:$0x0] =	sbarrier.arrive $0xFFFF  }
.LBB2_2:
0x1d: {  	p0 =	sne.s32 s17, $0x9E00  }
.Ltmp0:
0x1e: {  	_ = 	snop;
	(pc) =	sbr.rel @p0 .LBB2_2-.Ltmp0, $4  }
0x1f: {  	_ = 	snop  }
0x20: {  	s18 =	sshra.s32 s17, $0x2  }
0x21: {  	s17 =	sadd.s32 $0x200, s17;
	s18 =	sadd.s32 $0x18000, s18  }
0x22: {  	[spmem:s3] =	stream.indirect.scatter.add.f32 [tilespmem:s9], [sflag:$0x1], $0x80, s18, s14, $0xb8;
	[tilespmem:$0x1A800] =	vst v63  }
0x23: {  	_ =	swait.ge [sflag:s15], $0x4000  }
0x24: {  	s17 =	simm.s32 $0x4F;
	[sflag:s15] =	ssyncset.done $0x0  }
.LBB2_4:
0x25: {  	p0 =	sne.s32 s17, $0x1;
	s17 =	sadd.s32 $0xFFFFFFFF, s17;
	[sflag:s15] =	ssyncadd.s32 $0xFFFFC000  }
.Ltmp1:
0x26: {  	(pc) =	sbr.rel @p0 .LBB2_4-.Ltmp1, $3  }
0x27: {  	_ =	sdelay $0x1  }
0x28: {  	_ =	swait.ge [sflag:s15], $0x4000  }
0x29: {  	[sflag:s15] =	ssyncset.done $0x0  }
0x2a: {  	s16 =	sadd.s32 $0x1, s16  }
0x2b: {  	[sflag:s15] =	ssyncadd.s32 $0xFFFFC000;
	p0 =	sne.s32 s16, s8  }
.Ltmp2:
0x2c: {  	[bflag:$0x0] =	sbarrier.arrive $0xFFFF;
	(pc) =	sbr.rel @p0 .LBB2_1-.Ltmp2, $4  }
0x2d: {  	[hbm:s7], [sflag:s12] =	dma.local [spmem:s13], $0x2800  }
0x2e: {  	_ =	swait.ge [sflag:s10], $0x2800  }
0x2f: {  	[sflag:s10] =	ssyncset.done $0x0  }
0x30: {  	[sflag:s10] =	ssyncadd.s32 $0xFFFFD800  }
0x31: {  	_ =	sfence.sel $0x180000  }
0x32: {  	[bflag:$0x0] =	sbarrier.arrive $0xFFFF  }
0x33: {  	p0 =	sne.s32 s0, $0x0;
	_ =	strace $0x90000047  }
0x34: {  	s0 =	sadd.s32 @!p0 $0x100000, s2;
	[bflag:$0x2] =	sbarrier.arrive $0xFFFF  }
0x35: {  	[sflag:s0] =	ssyncadd.tile.s32 @!p0 $0x1;
	_ =	shalt  }
.Lfunc_end2:
_tile_overlayer_lowered:
.L_overlay_start_2:
0x36: {  	(tag) =	ssettag $0x2  }
0x37: {  	s0 =	rddreg [dreg:$0x0];
	s2 =	stileid.u32  }
0x38: {  	s1 =	rddreg [dreg:$0x1];
	p0 =	sne.s32 s2, $0x0  }
0x39: {  	s3 =	rddreg [dreg:$0x2];
	[bflag:$0x3] =	sbarrier.arrive $0xFFFF;
	s2 =	simm.s32 @!p0 $0x1C02  }
0x3a: {  	[timem:s3], [sflag:s2] =	dma.local @!p0 [hbm:s0], s1  }
0x3b: {  	s0 =	simm.s32 @!p0 $0x2  }
0x3c: {  	_ =	swait.ge @!p0 [sflag:s0], s1  }
0x3d: {  	s1 =	ssub.s32 @!p0 $0x0, s1;
	[sflag:s0] =	ssyncset.done @!p0 $0x0  }
0x3e: {  	[sflag:s0] =	ssyncadd.s32 @!p0 s1  }
0x3f: {  	[bflag:$0x3] =	sbarrier.arrive $0xFFFF  }
0x40: {  	_ =	shalt  }

</sc_bundles>
